<compile_context>
chip_gen: v7x
topology: tpu7x:2x2x1
jax: 0.10.2.dev20260603
libtpu: 0.0.44.dev20260713+nightly
codegen_flags: <defaults>
</compile_context>

<pallas_src>
import functools

import jax
import jax.numpy as jnp
from jax import lax
from jax.experimental import pallas as pl
from jax.experimental.pallas import tpu as pltpu
from jax.experimental.pallas import tpu_sc as plsc

_B = 128
_R = 16
_T = 77
_TPR = 4
_NCTX = 16
_NSTAIN = 4
_D = 512
_VIS = 512
_VOCAB = 49408
_PURE = _NCTX + _NSTAIN + _TPR
_EOT = 1 + _PURE + 1

_NC = 2
_NS = 16
_NW = _NC * _NS
_NIDX = _B * _NSTAIN
_IPW = _NIDX // _NW

_NB = 4


def _sc_gather(table, idx):
    mesh = plsc.VectorSubcoreMesh(core_axis_name="c", subcore_axis_name="s")

    @functools.partial(
        pl.kernel,
        mesh=mesh,
        out_type=jax.ShapeDtypeStruct((_NIDX, _D), jnp.float32),
        scratch_types=[
            pltpu.VMEM((_IPW,), jnp.int32),
            pltpu.VMEM((_IPW, _D), jnp.float32),
            pltpu.SemaphoreType.DMA,
        ],
    )
    def gather_kernel(table_hbm, idx_hbm, out_hbm, idx_v, rows_v, sem):
        wid = lax.axis_index("s") * _NC + lax.axis_index("c")
        base = wid * _IPW
        pltpu.sync_copy(idx_hbm.at[pl.ds(base, _IPW)], idx_v)
        pltpu.async_copy(table_hbm.at[idx_v], rows_v, sem).wait()
        pltpu.sync_copy(rows_v, out_hbm.at[pl.ds(base, _IPW)])

    return gather_kernel(table, idx)


def _assemble_body(im_ref, ime_ref, w1_ref, b1_ref, w2_ref, b2_ref,
                   we1_ref, be1_ref, we2_ref, be2_ref,
                   ctx_ref, rank_ref, stain_ref, spec_ref,
                   sent_ref, tok_ref):
    b = pl.program_id(0)

    x = im_ref[:, 0, :]
    h = jnp.maximum(
        jnp.dot(x, w1_ref[...], preferred_element_type=jnp.float32) + b1_ref[...],
        0.0)
    bias_g = jnp.dot(h, w2_ref[...], preferred_element_type=jnp.float32) + b2_ref[...]
    xe = ime_ref[:, 0, :]
    he = jnp.maximum(
        jnp.dot(xe, we1_ref[...], preferred_element_type=jnp.float32) + be1_ref[...],
        0.0)
    bias_e = jnp.dot(he, we2_ref[...], preferred_element_type=jnp.float32) + be2_ref[...]

    null_e = spec_ref[0:1, :]
    fs_e = spec_ref[1:2, :]
    sot_e = spec_ref[2:3, :]
    eot_e = spec_ref[3:4, :]

    for i in range(_NB):
        ctx_g = ctx_ref[0:_NCTX // 2, :] + bias_g[i:i + 1, :]
        ctx_e = ctx_ref[_NCTX // 2:, :] + bias_e[i:i + 1, :]
        stain = stain_ref[i]
        sent_ref[i, 1:9] = jnp.broadcast_to(ctx_g[:, None, :], (8, _R, _D))
        sent_ref[i, 9:13] = jnp.broadcast_to(stain[:, None, :], (_NSTAIN, _R, _D))
        sent_ref[i, 13:21] = jnp.broadcast_to(ctx_e[:, None, :], (8, _R, _D))

    @pl.when(b == 0)
    def _tokens():
        t = lax.broadcasted_iota(jnp.int32, (_T, _R, _B), 0)
        tok_ref[...] = jnp.where(
            t == 0, 49406,
            jnp.where(t <= _PURE, 1,
                      jnp.where(t == _EOT - 1, 269,
                                jnp.where(t == _EOT, 49407, 0))))


def _assemble(im_features, im_features_edge, W1, b1, W2, b2,
              We1, be1, We2, be2, context_embeds, rank_embeds,
              stain_emb, specials):
    h = W1.shape[1]
    grid = (_B // _NB,)
    full = lambda shape: pl.BlockSpec(shape, lambda b: (0,) * len(shape))
    return pl.pallas_call(
        _assemble_body,
        grid=grid,
        in_specs=[
            pl.BlockSpec((_NB, 1, _VIS), lambda b: (b, 0, 0)),
            pl.BlockSpec((_NB, 1, _VIS), lambda b: (b, 0, 0)),
            full((_VIS, h)),
            full((1, h)),
            full((h, _D)),
            full((1, _D)),
            full((_VIS, h)),
            full((1, h)),
            full((h, _D)),
            full((1, _D)),
            full((_NCTX, _D)),
            full((_TPR, _R, _D)),
            pl.BlockSpec((_NB, _NSTAIN, _D), lambda b: (b, 0, 0)),
            full((4, _D)),
        ],
        out_specs=[
            pl.BlockSpec((_NB, _T, _R, _D), lambda b: (b, 0, 0, 0)),
            full((_T, _R, _B)),
        ],
        out_shape=[
            jax.ShapeDtypeStruct((_B, _T, _R, _D), jnp.float32),
            jax.ShapeDtypeStruct((_T, _R, _B), jnp.int32),
        ],
        compiler_params=pltpu.CompilerParams(
            dimension_semantics=("arbitrary",)),
    )(im_features[:, None, :], im_features_edge[:, None, :],
      W1, b1, W2, b2, We1, be1, We2, be2,
      context_embeds, rank_embeds, stain_emb, specials)


def kernel(im_features, im_features_edge, stains, context_embeds, rank_embeds,
           token_embedding, W1, b1, W2, b2, We1, be1, We2, be2):
    idx = stains.reshape(-1).astype(jnp.int32)
    stain_rows = _sc_gather(token_embedding, idx)
    stain_emb = stain_rows.reshape(_B, _NSTAIN, _D)
    specials = jnp.concatenate([
        token_embedding[0:1],
        token_embedding[269:270],
        token_embedding[49406:49407],
        token_embedding[49407:49408],
    ], axis=0)
    rank_t = jnp.transpose(rank_embeds, (1, 0, 2))
    sent_p, tok_p = _assemble(
        im_features, im_features_edge, W1, b1.reshape(1, -1), W2,
        b2.reshape(1, -1), We1, be1.reshape(1, -1), We2, be2.reshape(1, -1),
        context_embeds, rank_t, stain_emb, specials)
    sent = jnp.transpose(sent_p, (0, 2, 1, 3))
    tokens = jnp.transpose(tok_p, (2, 1, 0))
    return (sent, tokens)

# --- scband reference (transcript-rebuilt; emitter-appended) ---
"""Pipeline reference for scband-plain-prompt-learner-15985868275933 (READ-ONLY COPY).

The authoritative reference and input builder live on the scoring server;
editing this copy changes nothing except your own understanding.
"""

import jax, jax.numpy as jnp
import numpy as np

B = 128
R = 16
T = 77
TPR = 4
NCTX = 16
NSTAIN = 4
D = 512
VIS = 512
VOCAB = 49408
PURE = NCTX + NSTAIN + TPR
EOT = 1 + PURE + 1


def setup_inputs(seed: int = 0) -> dict:
    key = jax.random.key(seed)
    ks = jax.random.split(key, 16)
    h = VIS // 16
    inp = {}
    inp["im_features"] = jax.random.normal(ks[0], (B, VIS), dtype=jnp.float32)
    inp["im_features_edge"] = jax.random.normal(ks[1], (B, VIS), dtype=jnp.float32)
    inp["stains"] = jax.random.randint(ks[2], (B, NSTAIN), 0, 49405)
    inp["context_embeds"] = jax.random.normal(ks[3], (NCTX, D), dtype=jnp.float32) * 0.02
    inp["rank_embeds"] = jax.random.normal(ks[4], (R, TPR, D), dtype=jnp.float32) * 0.02
    inp["token_embedding"] = jax.random.normal(ks[5], (VOCAB, D), dtype=jnp.float32) * 0.02
    inp["W1"] = jax.random.normal(ks[6], (VIS, h), dtype=jnp.float32) * (1.0 / np.sqrt(VIS))
    inp["b1"] = jnp.zeros((h,), dtype=jnp.float32)
    inp["W2"] = jax.random.normal(ks[7], (h, D), dtype=jnp.float32) * (1.0 / np.sqrt(h))
    inp["b2"] = jnp.zeros((D,), dtype=jnp.float32)
    inp["We1"] = jax.random.normal(ks[8], (VIS, h), dtype=jnp.float32) * (1.0 / np.sqrt(VIS))
    inp["be1"] = jnp.zeros((h,), dtype=jnp.float32)
    inp["We2"] = jax.random.normal(ks[9], (h, D), dtype=jnp.float32) * (1.0 / np.sqrt(h))
    inp["be2"] = jnp.zeros((D,), dtype=jnp.float32)
    return inp


def reference(im_features, im_features_edge, stains, context_embeds, rank_embeds,
              token_embedding, W1, b1, W2, b2, We1, be1, We2, be2):
    # condition nets (Linear -> ReLU -> Linear)
    bias_gray = jnp.maximum(im_features @ W1 + b1, 0.0) @ W2 + b2          # [B, D]
    bias_edge = jnp.maximum(im_features_edge @ We1 + be1, 0.0) @ We2 + be2  # [B, D]
    ctx_gray = context_embeds[: NCTX // 2][None, :, :] + bias_gray[:, None, :]   # [B, 8, D]
    ctx_edge = context_embeds[NCTX // 2 :][None, :, :] + bias_edge[:, None, :]   # [B, 8, D]
    # stain token embeddings (gather from CLIP token table)
    stain_emb = jnp.take(token_embedding, stains, axis=0)  # [B, NSTAIN, D]
    # special-token embeddings
    null_e = token_embedding[0]
    sot_e = token_embedding[49406]
    eot_e = token_embedding[49407]
    fs_e = token_embedding[269]
    # sentence embedding template (scatter-overwrite into [B, R, 77, D])
    sent = jnp.tile(null_e[None, None, None, :], (B, R, T, 1))
    sent = sent.at[:, :, 0, :].set(sot_e)
    sent = sent.at[:, :, EOT, :].set(eot_e)
    sent = sent.at[:, :, EOT - 1, :].set(fs_e)
    # tail/tail layout: [ctx_gray, stain, ctx_edge, rank_tokens]
    ctx_g = jnp.broadcast_to(ctx_gray[:, None, :, :], (B, R, NCTX // 2, D))
    st = jnp.broadcast_to(stain_emb[:, None, :, :], (B, R, NSTAIN, D))
    ctx_e = jnp.broadcast_to(ctx_edge[:, None, :, :], (B, R, NCTX // 2, D))
    rk = jnp.broadcast_to(rank_embeds[None, :, :, :], (B, R, TPR, D))
    fill = jnp.concatenate([ctx_g, st, ctx_e, rk], axis=2)  # [B, R, PURE, D]
    sent = sent.at[:, :, 1 : 1 + PURE, :].set(fill)
    # pseudo sentence tokens
    tokens = jnp.zeros((R, T), dtype=jnp.int32)
    tokens = tokens.at[:, 0].set(49406)
    tokens = tokens.at[:, 1 : 1 + PURE].set(1)
    tokens = tokens.at[:, EOT - 1].set(269)
    tokens = tokens.at[:, EOT].set(49407)
    tokens_b = jnp.broadcast_to(tokens[None, :, :], (B, R, T))
    return (sent, tokens_b)

if __name__ == "__main__":
    import jax
    _d = setup_inputs()
    print(jax.jit(kernel)(*tuple(_d.values())))

</pallas_src>

<mosaic_0001>
#map = affine_map<(d0, d1) -> (0, 0)>
#map1 = affine_map<(d0, d1) -> (0)>
module attributes {stable_mosaic.version = 14 : i64} {
  func.func @gather_kernel(%arg0: i32, %arg1: i32, %arg2: memref<49408x512xf32, #tpu.memory_space<hbm>>, %arg3: memref<512xi32, #tpu.memory_space<hbm>>, %arg4: memref<512x512xf32, #tpu.memory_space<hbm>>, %arg5: memref<16xi32, #tpu.memory_space<vmem>>, %arg6: memref<16x512xf32, #tpu.memory_space<vmem>>, %arg7: memref<!tpu.dma_semaphore, #tpu.memory_space<semaphore_mem>>) attributes {dimension_semantics = [#tpu.dimension_semantics<core_parallel>, #tpu.dimension_semantics<subcore_parallel>], iteration_bounds = array<i64: 2, 16>, scalar_prefetch = 0 : i64, scratch_operands = 3 : i64, tpu.core_type = #tpu.core_type<sc_vector_subcore>, window_params = [{transform_indices = #map}, {transform_indices = #map1}, {transform_indices = #map}]} {
    %mul3A = arith.constant 2 : i32
    %mul3A_0 = arith.muli %arg1, %mul3A : i32
    %add3A = arith.addi %mul3A_0, %arg0 : i32
    %mul3A_1 = arith.constant 16 : i32
    %mul3A_2 = arith.muli %add3A, %mul3A_1 : i32
    "tpu.region"() ({
      %run_scoped3A = tpu.sem_alloc : memref<!tpu.dma_semaphore, #tpu.memory_space<semaphore_mem>>
      %dma_start3A_7 = tpu.memref_slice %arg3[%mul3A_2] : memref<512xi32, #tpu.memory_space<hbm>> -> memref<16xi32, #tpu.memory_space<hbm>>
      %dma_start3A_8 = tpu.memref_slice %arg3[%mul3A_2] : memref<512xi32, #tpu.memory_space<hbm>> -> memref<16xi32, #tpu.memory_space<hbm>>
      tpu.enqueue_dma source(%dma_start3A_8 : memref<16xi32, #tpu.memory_space<hbm>>) target(%arg5 : memref<16xi32, #tpu.memory_space<vmem>>) target_semaphore(%run_scoped3A : memref<!tpu.dma_semaphore, #tpu.memory_space<semaphore_mem>>)
      %dma_wait3A_9 = tpu.memref_slice %arg3[%mul3A_2] : memref<512xi32, #tpu.memory_space<hbm>> -> memref<16xi32, #tpu.memory_space<hbm>>
      %dma_wait3A_10 = tpu.memref_slice %arg3[%mul3A_2] : memref<512xi32, #tpu.memory_space<hbm>> -> memref<16xi32, #tpu.memory_space<hbm>>
      tpu.wait_dma2 semaphore(%run_scoped3A : memref<!tpu.dma_semaphore, #tpu.memory_space<semaphore_mem>>) src(%dma_wait3A_10 : memref<16xi32, #tpu.memory_space<hbm>>) dst(%arg5 : memref<16xi32, #tpu.memory_space<vmem>>)
      tpu.yield
    }) : () -> ()
    %dma_start3A = arith.constant 0 : i32
    %dma_start3A_3 = arith.constant 0 : i32
    %dma_start3A_4 = tpu.memref_slice %arg2[%dma_start3A, %dma_start3A_3] : memref<49408x512xf32, #tpu.memory_space<hbm>> -> memref<49408x512xf32, #tpu.memory_space<hbm>>
    tpu.enqueue_indirect_dma source(%dma_start3A_4 : memref<49408x512xf32, #tpu.memory_space<hbm>>) target(%arg6 : memref<16x512xf32, #tpu.memory_space<vmem>>) offsets(%arg5 : memref<16xi32, #tpu.memory_space<vmem>>) semaphore(%arg7 : memref<!tpu.dma_semaphore, #tpu.memory_space<semaphore_mem>>)
    %dma_wait3A = arith.constant 0 : i32
    %dma_wait3A_5 = arith.constant 0 : i32
    %dma_wait3A_6 = tpu.memref_slice %arg2[%dma_wait3A, %dma_wait3A_5] : memref<49408x512xf32, #tpu.memory_space<hbm>> -> memref<49408x512xf32, #tpu.memory_space<hbm>>
    tpu.wait_indirect_dma semaphore(%arg7 : memref<!tpu.dma_semaphore, #tpu.memory_space<semaphore_mem>>) src(%dma_wait3A_6 : memref<49408x512xf32, #tpu.memory_space<hbm>>) dst(%arg6 : memref<16x512xf32, #tpu.memory_space<vmem>>)
    "tpu.region"() ({
      %run_scoped3A = tpu.sem_alloc : memref<!tpu.dma_semaphore, #tpu.memory_space<semaphore_mem>>
      %dma_start3A_7 = arith.constant 0 : i32
      %dma_start3A_8 = tpu.memref_slice %arg4[%mul3A_2, %dma_start3A_7] : memref<512x512xf32, #tpu.memory_space<hbm>> -> memref<16x512xf32, #tpu.memory_space<hbm>>
      %dma_start3A_9 = arith.constant 0 : i32
      %dma_start3A_10 = tpu.memref_slice %arg4[%mul3A_2, %dma_start3A_9] : memref<512x512xf32, #tpu.memory_space<hbm>> -> memref<16x512xf32, #tpu.memory_space<hbm>>
      tpu.enqueue_dma source(%arg6 : memref<16x512xf32, #tpu.memory_space<vmem>>) target(%dma_start3A_10 : memref<16x512xf32, #tpu.memory_space<hbm>>) target_semaphore(%run_scoped3A : memref<!tpu.dma_semaphore, #tpu.memory_space<semaphore_mem>>)
      %dma_wait3A_11 = arith.constant 0 : i32
      %dma_wait3A_12 = tpu.memref_slice %arg4[%mul3A_2, %dma_wait3A_11] : memref<512x512xf32, #tpu.memory_space<hbm>> -> memref<16x512xf32, #tpu.memory_space<hbm>>
      %dma_wait3A_13 = arith.constant 0 : i32
      %dma_wait3A_14 = tpu.memref_slice %arg4[%mul3A_2, %dma_wait3A_13] : memref<512x512xf32, #tpu.memory_space<hbm>> -> memref<16x512xf32, #tpu.memory_space<hbm>>
      tpu.wait_dma2 semaphore(%run_scoped3A : memref<!tpu.dma_semaphore, #tpu.memory_space<semaphore_mem>>) src(%arg6 : memref<16x512xf32, #tpu.memory_space<vmem>>) dst(%dma_wait3A_14 : memref<16x512xf32, #tpu.memory_space<hbm>>)
      tpu.yield
    }) : () -> ()
    return
  }
}

module attributes {stable_mosaic.version = 14 : i64} {
  func.func @_assemble_body(%arg0: i32, %arg1: memref<4x1x512xf32, #tpu.memory_space<vmem>>, %arg2: memref<4x1x512xf32, #tpu.memory_space<vmem>>, %arg3: memref<512x32xf32, #tpu.memory_space<vmem>>, %arg4: memref<1x32xf32, #tpu.memory_space<vmem>>, %arg5: memref<32x512xf32, #tpu.memory_space<vmem>>, %arg6: memref<1x512xf32, #tpu.memory_space<vmem>>, %arg7: memref<512x32xf32, #tpu.memory_space<vmem>>, %arg8: memref<1x32xf32, #tpu.memory_space<vmem>>, %arg9: memref<32x512xf32, #tpu.memory_space<vmem>>, %arg10: memref<1x512xf32, #tpu.memory_space<vmem>>, %arg11: memref<16x512xf32, #tpu.memory_space<vmem>>, %arg12: memref<4x16x512xf32, #tpu.memory_space<vmem>>, %arg13: memref<4x4x512xf32, #tpu.memory_space<vmem>>, %arg14: memref<4x512xf32, #tpu.memory_space<vmem>>, %arg15: memref<4x77x16x512xf32, #tpu.memory_space<vmem>>, %arg16: memref<77x16x128xi32, #tpu.memory_space<vmem>>) attributes {dimension_semantics = [#tpu.dimension_semantics<arbitrary>], iteration_bounds = array<i64: 32>, scalar_prefetch = 0 : i64, scratch_operands = 0 : i64, tpu.core_type = #tpu.core_type<tc>, window_params = [{transform_indices = @transform_0, window_bounds = array<i64: 4, 1, 512>}, {transform_indices = @transform_1, window_bounds = array<i64: 4, 1, 512>}, {pipeline_mode = #tpu.pipeline_mode<synchronous>, transform_indices = @transform_2, window_bounds = array<i64: 512, 32>}, {pipeline_mode = #tpu.pipeline_mode<synchronous>, transform_indices = @transform_3, window_bounds = array<i64: 1, 32>}, {pipeline_mode = #tpu.pipeline_mode<synchronous>, transform_indices = @transform_4, window_bounds = array<i64: 32, 512>}, {pipeline_mode = #tpu.pipeline_mode<synchronous>, transform_indices = @transform_5, window_bounds = array<i64: 1, 512>}, {pipeline_mode = #tpu.pipeline_mode<synchronous>, transform_indices = @transform_6, window_bounds = array<i64: 512, 32>}, {pipeline_mode = #tpu.pipeline_mode<synchronous>, transform_indices = @transform_7, window_bounds = array<i64: 1, 32>}, {pipeline_mode = #tpu.pipeline_mode<synchronous>, transform_indices = @transform_8, window_bounds = array<i64: 32, 512>}, {pipeline_mode = #tpu.pipeline_mode<synchronous>, transform_indices = @transform_9, window_bounds = array<i64: 1, 512>}, {pipeline_mode = #tpu.pipeline_mode<synchronous>, transform_indices = @transform_10, window_bounds = array<i64: 16, 512>}, {pipeline_mode = #tpu.pipeline_mode<synchronous>, transform_indices = @transform_11, window_bounds = array<i64: 4, 16, 512>}, {transform_indices = @transform_12, window_bounds = array<i64: 4, 4, 512>}, {pipeline_mode = #tpu.pipeline_mode<synchronous>, transform_indices = @transform_13, window_bounds = array<i64: 4, 512>}, {transform_indices = @transform_14, window_bounds = array<i64: 4, 77, 16, 512>}, {pipeline_mode = #tpu.pipeline_mode<synchronous>, transform_indices = @transform_15, window_bounds = array<i64: 77, 16, 128>}]} {
    %get3A = arith.constant 0 : index
    %get3A_0 = arith.constant 0 : index
    %get3A_1 = arith.constant 0 : index
    %get3A_2 = vector.load %arg1[%get3A, %get3A_0, %get3A_1] : memref<4x1x512xf32, #tpu.memory_space<vmem>>, vector<4x1x512xf32>
    %get3A_3 = vector.shape_cast %get3A_2 : vector<4x1x512xf32> to vector<4x512xf32>
    %get3A_4 = arith.constant 0 : index
    %get3A_5 = arith.constant 0 : index
    %get3A_6 = vector.load %arg3[%get3A_4, %get3A_5] : memref<512x32xf32, #tpu.memory_space<vmem>>, vector<512x32xf32>
    %dot_general3A = arith.constant dense<0.000000e+00> : vector<4x32xf32>
    %dot_general3A_7 = tpu.matmul %get3A_3, %get3A_6, %dot_general3A {dimension_numbers = #tpu.dot_dimension_numbers<[1], [0], [0], [1], [0, 0, 1, 1], [], []>, transpose_lhs_hint = false} : vector<4x512xf32>, vector<512x32xf32>, vector<4x32xf32> -> vector<4x32xf32>
    %get3A_8 = arith.constant 0 : index
    %get3A_9 = arith.constant 0 : index
    %get3A_10 = vector.load %arg4[%get3A_8, %get3A_9] : memref<1x32xf32, #tpu.memory_space<vmem>>, vector<1x32xf32>
    %add3A = vector.broadcast %get3A_10 : vector<1x32xf32> to vector<4x32xf32>
    %add3A_11 = arith.addf %dot_general3A_7, %add3A : vector<4x32xf32>
    %max3A = arith.constant 0.000000e+00 : f32
    %max3A_12 = vector.broadcast %max3A : f32 to vector<4x32xf32>
    %max3A_13 = arith.maximumf %add3A_11, %max3A_12 : vector<4x32xf32>
    %get3A_14 = arith.constant 0 : index
    %get3A_15 = arith.constant 0 : index
    %get3A_16 = vector.load %arg5[%get3A_14, %get3A_15] : memref<32x512xf32, #tpu.memory_space<vmem>>, vector<32x512xf32>
    %dot_general3A_17 = arith.constant dense<0.000000e+00> : vector<4x512xf32>
    %dot_general3A_18 = tpu.matmul %max3A_13, %get3A_16, %dot_general3A_17 {dimension_numbers = #tpu.dot_dimension_numbers<[1], [0], [0], [1], [0, 0, 1, 1], [], []>, transpose_lhs_hint = false} : vector<4x32xf32>, vector<32x512xf32>, vector<4x512xf32> -> vector<4x512xf32>
    %get3A_19 = arith.constant 0 : index
    %get3A_20 = arith.constant 0 : index
    %get3A_21 = vector.load %arg6[%get3A_19, %get3A_20] : memref<1x512xf32, #tpu.memory_space<vmem>>, vector<1x512xf32>
    %add3A_22 = vector.broadcast %get3A_21 : vector<1x512xf32> to vector<4x512xf32>
    %add3A_23 = arith.addf %dot_general3A_18, %add3A_22 : vector<4x512xf32>
    %get3A_24 = arith.constant 0 : index
    %get3A_25 = arith.constant 0 : index
    %get3A_26 = arith.constant 0 : index
    %get3A_27 = vector.load %arg2[%get3A_24, %get3A_25, %get3A_26] : memref<4x1x512xf32, #tpu.memory_space<vmem>>, vector<4x1x512xf32>
    %get3A_28 = vector.shape_cast %get3A_27 : vector<4x1x512xf32> to vector<4x512xf32>
    %get3A_29 = arith.constant 0 : index
    %get3A_30 = arith.constant 0 : index
    %get3A_31 = vector.load %arg7[%get3A_29, %get3A_30] : memref<512x32xf32, #tpu.memory_space<vmem>>, vector<512x32xf32>
    %dot_general3A_32 = arith.constant dense<0.000000e+00> : vector<4x32xf32>
    %dot_general3A_33 = tpu.matmul %get3A_28, %get3A_31, %dot_general3A_32 {dimension_numbers = #tpu.dot_dimension_numbers<[1], [0], [0], [1], [0, 0, 1, 1], [], []>, transpose_lhs_hint = false} : vector<4x512xf32>, vector<512x32xf32>, vector<4x32xf32> -> vector<4x32xf32>
    %get3A_34 = arith.constant 0 : index
    %get3A_35 = arith.constant 0 : index
    %get3A_36 = vector.load %arg8[%get3A_34, %get3A_35] : memref<1x32xf32, #tpu.memory_space<vmem>>, vector<1x32xf32>
    %add3A_37 = vector.broadcast %get3A_36 : vector<1x32xf32> to vector<4x32xf32>
    %add3A_38 = arith.addf %dot_general3A_33, %add3A_37 : vector<4x32xf32>
    %max3A_39 = arith.constant 0.000000e+00 : f32
    %max3A_40 = vector.broadcast %max3A_39 : f32 to vector<4x32xf32>
    %max3A_41 = arith.maximumf %add3A_38, %max3A_40 : vector<4x32xf32>
    %get3A_42 = arith.constant 0 : index
    %get3A_43 = arith.constant 0 : index
    %get3A_44 = vector.load %arg9[%get3A_42, %get3A_43] : memref<32x512xf32, #tpu.memory_space<vmem>>, vector<32x512xf32>
    %dot_general3A_45 = arith.constant dense<0.000000e+00> : vector<4x512xf32>
    %dot_general3A_46 = tpu.matmul %max3A_41, %get3A_44, %dot_general3A_45 {dimension_numbers = #tpu.dot_dimension_numbers<[1], [0], [0], [1], [0, 0, 1, 1], [], []>, transpose_lhs_hint = false} : vector<4x32xf32>, vector<32x512xf32>, vector<4x512xf32> -> vector<4x512xf32>
    %get3A_47 = arith.constant 0 : index
    %get3A_48 = arith.constant 0 : index
    %get3A_49 = vector.load %arg10[%get3A_47, %get3A_48] : memref<1x512xf32, #tpu.memory_space<vmem>>, vector<1x512xf32>
    %add3A_50 = vector.broadcast %get3A_49 : vector<1x512xf32> to vector<4x512xf32>
    %add3A_51 = arith.addf %dot_general3A_46, %add3A_50 : vector<4x512xf32>
    %get3A_52 = arith.constant 0 : index
    %get3A_53 = arith.constant 0 : index
    %get3A_54 = vector.load %arg11[%get3A_52, %get3A_53] : memref<16x512xf32, #tpu.memory_space<vmem>>, vector<8x512xf32>
    %slice3A = vector.extract_strided_slice %add3A_23 {offsets = [0, 0], sizes = [1, 512], strides = [1, 1]} : vector<4x512xf32> to vector<1x512xf32>
    %add3A_55 = vector.broadcast %slice3A : vector<1x512xf32> to vector<8x512xf32>
    %add3A_56 = arith.addf %get3A_54, %add3A_55 : vector<8x512xf32>
    %get3A_57 = arith.constant 8 : index
    %get3A_58 = arith.constant 0 : index
    %get3A_59 = vector.load %arg11[%get3A_57, %get3A_58] : memref<16x512xf32, #tpu.memory_space<vmem>>, vector<8x512xf32>
    %slice3A_60 = vector.extract_strided_slice %add3A_51 {offsets = [0, 0], sizes = [1, 512], strides = [1, 1]} : vector<4x512xf32> to vector<1x512xf32>
    %add3A_61 = vector.broadcast %slice3A_60 : vector<1x512xf32> to vector<8x512xf32>
    %add3A_62 = arith.addf %get3A_59, %add3A_61 : vector<8x512xf32>
    %get3A_63 = arith.constant 0 : index
    %get3A_64 = arith.constant 0 : index
    %get3A_65 = arith.constant 0 : index
    %get3A_66 = vector.load %arg13[%get3A_63, %get3A_64, %get3A_65] : memref<4x4x512xf32, #tpu.memory_space<vmem>>, vector<1x4x512xf32>
    %get3A_67 = vector.shape_cast %get3A_66 : vector<1x4x512xf32> to vector<4x512xf32>
    %broadcast_in_dim3A = vector.shape_cast %add3A_56 : vector<8x512xf32> to vector<8x1x512xf32>
    %broadcast_in_dim3A_68 = vector.shape_cast %broadcast_in_dim3A : vector<8x1x512xf32> to vector<8x1x512xf32>
    %broadcast_in_dim3A_69 = vector.broadcast %broadcast_in_dim3A_68 : vector<8x1x512xf32> to vector<8x16x512xf32>
    %swap3A = arith.constant 0 : index
    %swap3A_70 = arith.constant 1 : index
    %swap3A_71 = arith.constant 0 : index
    %swap3A_72 = arith.constant 0 : index
    %swap3A_73 = vector.load %arg15[%swap3A, %swap3A_70, %swap3A_71, %swap3A_72] : memref<4x77x16x512xf32, #tpu.memory_space<vmem>>, vector<1x8x16x512xf32>
    %swap3A_74 = vector.shape_cast %swap3A_73 : vector<1x8x16x512xf32> to vector<8x16x512xf32>
    %swap3A_75 = vector.shape_cast %broadcast_in_dim3A_69 : vector<8x16x512xf32> to vector<1x8x16x512xf32>
    tpu.vector_store %arg15[%swap3A, %swap3A_70, %swap3A_71, %swap3A_72], %swap3A_75 {strides = array<i32>} : memref<4x77x16x512xf32, #tpu.memory_space<vmem>>, vector<1x8x16x512xf32>,
    %broadcast_in_dim3A_76 = vector.shape_cast %get3A_67 : vector<4x512xf32> to vector<4x1x512xf32>
    %broadcast_in_dim3A_77 = vector.shape_cast %broadcast_in_dim3A_76 : vector<4x1x512xf32> to vector<4x1x512xf32>
    %broadcast_in_dim3A_78 = vector.broadcast %broadcast_in_dim3A_77 : vector<4x1x512xf32> to vector<4x16x512xf32>
    %swap3A_79 = arith.constant 0 : index
    %swap3A_80 = arith.constant 9 : index
    %swap3A_81 = arith.constant 0 : index
    %swap3A_82 = arith.constant 0 : index
    %swap3A_83 = vector.load %arg15[%swap3A_79, %swap3A_80, %swap3A_81, %swap3A_82] : memref<4x77x16x512xf32, #tpu.memory_space<vmem>>, vector<1x4x16x512xf32>
    %swap3A_84 = vector.shape_cast %swap3A_83 : vector<1x4x16x512xf32> to vector<4x16x512xf32>
    %swap3A_85 = vector.shape_cast %broadcast_in_dim3A_78 : vector<4x16x512xf32> to vector<1x4x16x512xf32>
    tpu.vector_store %arg15[%swap3A_79, %swap3A_80, %swap3A_81, %swap3A_82], %swap3A_85 {strides = array<i32>} : memref<4x77x16x512xf32, #tpu.memory_space<vmem>>, vector<1x4x16x512xf32>,
    %broadcast_in_dim3A_86 = vector.shape_cast %add3A_62 : vector<8x512xf32> to vector<8x1x512xf32>
    %broadcast_in_dim3A_87 = vector.shape_cast %broadcast_in_dim3A_86 : vector<8x1x512xf32> to vector<8x1x512xf32>
    %broadcast_in_dim3A_88 = vector.broadcast %broadcast_in_dim3A_87 : vector<8x1x512xf32> to vector<8x16x512xf32>
    %swap3A_89 = arith.constant 0 : index
    %swap3A_90 = arith.constant 13 : index
    %swap3A_91 = arith.constant 0 : index
    %swap3A_92 = arith.constant 0 : index
    %swap3A_93 = vector.load %arg15[%swap3A_89, %swap3A_90, %swap3A_91, %swap3A_92] : memref<4x77x16x512xf32, #tpu.memory_space<vmem>>, vector<1x8x16x512xf32>
    %swap3A_94 = vector.shape_cast %swap3A_93 : vector<1x8x16x512xf32> to vector<8x16x512xf32>
    %swap3A_95 = vector.shape_cast %broadcast_in_dim3A_88 : vector<8x16x512xf32> to vector<1x8x16x512xf32>
    tpu.vector_store %arg15[%swap3A_89, %swap3A_90, %swap3A_91, %swap3A_92], %swap3A_95 {strides = array<i32>} : memref<4x77x16x512xf32, #tpu.memory_space<vmem>>, vector<1x8x16x512xf32>,
    %get3A_96 = arith.constant 0 : index
    %get3A_97 = arith.constant 0 : index
    %get3A_98 = vector.load %arg11[%get3A_96, %get3A_97] : memref<16x512xf32, #tpu.memory_space<vmem>>, vector<8x512xf32>
    %slice3A_99 = vector.extract_strided_slice %add3A_23 {offsets = [1, 0], sizes = [1, 512], strides = [1, 1]} : vector<4x512xf32> to vector<1x512xf32>
    %add3A_100 = vector.broadcast %slice3A_99 : vector<1x512xf32> to vector<8x512xf32>
    %add3A_101 = arith.addf %get3A_98, %add3A_100 : vector<8x512xf32>
    %get3A_102 = arith.constant 8 : index
    %get3A_103 = arith.constant 0 : index
    %get3A_104 = vector.load %arg11[%get3A_102, %get3A_103] : memref<16x512xf32, #tpu.memory_space<vmem>>, vector<8x512xf32>
    %slice3A_105 = vector.extract_strided_slice %add3A_51 {offsets = [1, 0], sizes = [1, 512], strides = [1, 1]} : vector<4x512xf32> to vector<1x512xf32>
    %add3A_106 = vector.broadcast %slice3A_105 : vector<1x512xf32> to vector<8x512xf32>
    %add3A_107 = arith.addf %get3A_104, %add3A_106 : vector<8x512xf32>
    %get3A_108 = arith.constant 1 : index
    %get3A_109 = arith.constant 0 : index
    %get3A_110 = arith.constant 0 : index
    %get3A_111 = vector.load %arg13[%get3A_108, %get3A_109, %get3A_110] : memref<4x4x512xf32, #tpu.memory_space<vmem>>, vector<1x4x512xf32>
    %get3A_112 = vector.shape_cast %get3A_111 : vector<1x4x512xf32> to vector<4x512xf32>
    %broadcast_in_dim3A_113 = vector.shape_cast %add3A_101 : vector<8x512xf32> to vector<8x1x512xf32>
    %broadcast_in_dim3A_114 = vector.shape_cast %broadcast_in_dim3A_113 : vector<8x1x512xf32> to vector<8x1x512xf32>
    %broadcast_in_dim3A_115 = vector.broadcast %broadcast_in_dim3A_114 : vector<8x1x512xf32> to vector<8x16x512xf32>
    %swap3A_116 = arith.constant 1 : index
    %swap3A_117 = arith.constant 1 : index
    %swap3A_118 = arith.constant 0 : index
    %swap3A_119 = arith.constant 0 : index
    %swap3A_120 = vector.load %arg15[%swap3A_116, %swap3A_117, %swap3A_118, %swap3A_119] : memref<4x77x16x512xf32, #tpu.memory_space<vmem>>, vector<1x8x16x512xf32>
    %swap3A_121 = vector.shape_cast %swap3A_120 : vector<1x8x16x512xf32> to vector<8x16x512xf32>
    %swap3A_122 = vector.shape_cast %broadcast_in_dim3A_115 : vector<8x16x512xf32> to vector<1x8x16x512xf32>
    tpu.vector_store %arg15[%swap3A_116, %swap3A_117, %swap3A_118, %swap3A_119], %swap3A_122 {strides = array<i32>} : memref<4x77x16x512xf32, #tpu.memory_space<vmem>>, vector<1x8x16x512xf32>,
    %broadcast_in_dim3A_123 = vector.shape_cast %get3A_112 : vector<4x512xf32> to vector<4x1x512xf32>
    %broadcast_in_dim3A_124 = vector.shape_cast %broadcast_in_dim3A_123 : vector<4x1x512xf32> to vector<4x1x512xf32>
    %broadcast_in_dim3A_125 = vector.broadcast %broadcast_in_dim3A_124 : vector<4x1x512xf32> to vector<4x16x512xf32>
    %swap3A_126 = arith.constant 1 : index
    %swap3A_127 = arith.constant 9 : index
    %swap3A_128 = arith.constant 0 : index
    %swap3A_129 = arith.constant 0 : index
    %swap3A_130 = vector.load %arg15[%swap3A_126, %swap3A_127, %swap3A_128, %swap3A_129] : memref<4x77x16x512xf32, #tpu.memory_space<vmem>>, vector<1x4x16x512xf32>
    %swap3A_131 = vector.shape_cast %swap3A_130 : vector<1x4x16x512xf32> to vector<4x16x512xf32>
    %swap3A_132 = vector.shape_cast %broadcast_in_dim3A_125 : vector<4x16x512xf32> to vector<1x4x16x512xf32>
    tpu.vector_store %arg15[%swap3A_126, %swap3A_127, %swap3A_128, %swap3A_129], %swap3A_132 {strides = array<i32>} : memref<4x77x16x512xf32, #tpu.memory_space<vmem>>, vector<1x4x16x512xf32>,
    %broadcast_in_dim3A_133 = vector.shape_cast %add3A_107 : vector<8x512xf32> to vector<8x1x512xf32>
    %broadcast_in_dim3A_134 = vector.shape_cast %broadcast_in_dim3A_133 : vector<8x1x512xf32> to vector<8x1x512xf32>
    %broadcast_in_dim3A_135 = vector.broadcast %broadcast_in_dim3A_134 : vector<8x1x512xf32> to vector<8x16x512xf32>
    %swap3A_136 = arith.constant 1 : index
    %swap3A_137 = arith.constant 13 : index
    %swap3A_138 = arith.constant 0 : index
    %swap3A_139 = arith.constant 0 : index
    %swap3A_140 = vector.load %arg15[%swap3A_136, %swap3A_137, %swap3A_138, %swap3A_139] : memref<4x77x16x512xf32, #tpu.memory_space<vmem>>, vector<1x8x16x512xf32>
    %swap3A_141 = vector.shape_cast %swap3A_140 : vector<1x8x16x512xf32> to vector<8x16x512xf32>
    %swap3A_142 = vector.shape_cast %broadcast_in_dim3A_135 : vector<8x16x512xf32> to vector<1x8x16x512xf32>
    tpu.vector_store %arg15[%swap3A_136, %swap3A_137, %swap3A_138, %swap3A_139], %swap3A_142 {strides = array<i32>} : memref<4x77x16x512xf32, #tpu.memory_space<vmem>>, vector<1x8x16x512xf32>,
    %get3A_143 = arith.constant 0 : index
    %get3A_144 = arith.constant 0 : index
    %get3A_145 = vector.load %arg11[%get3A_143, %get3A_144] : memref<16x512xf32, #tpu.memory_space<vmem>>, vector<8x512xf32>
    %slice3A_146 = vector.extract_strided_slice %add3A_23 {offsets = [2, 0], sizes = [1, 512], strides = [1, 1]} : vector<4x512xf32> to vector<1x512xf32>
    %add3A_147 = vector.broadcast %slice3A_146 : vector<1x512xf32> to vector<8x512xf32>
    %add3A_148 = arith.addf %get3A_145, %add3A_147 : vector<8x512xf32>
    %get3A_149 = arith.constant 8 : index
    %get3A_150 = arith.constant 0 : index
    %get3A_151 = vector.load %arg11[%get3A_149, %get3A_150] : memref<16x512xf32, #tpu.memory_space<vmem>>, vector<8x512xf32>
    %slice3A_152 = vector.extract_strided_slice %add3A_51 {offsets = [2, 0], sizes = [1, 512], strides = [1, 1]} : vector<4x512xf32> to vector<1x512xf32>
    %add3A_153 = vector.broadcast %slice3A_152 : vector<1x512xf32> to vector<8x512xf32>
    %add3A_154 = arith.addf %get3A_151, %add3A_153 : vector<8x512xf32>
    %get3A_155 = arith.constant 2 : index
    %get3A_156 = arith.constant 0 : index
    %get3A_157 = arith.constant 0 : index
    %get3A_158 = vector.load %arg13[%get3A_155, %get3A_156, %get3A_157] : memref<4x4x512xf32, #tpu.memory_space<vmem>>, vector<1x4x512xf32>
    %get3A_159 = vector.shape_cast %get3A_158 : vector<1x4x512xf32> to vector<4x512xf32>
    %broadcast_in_dim3A_160 = vector.shape_cast %add3A_148 : vector<8x512xf32> to vector<8x1x512xf32>
    %broadcast_in_dim3A_161 = vector.shape_cast %broadcast_in_dim3A_160 : vector<8x1x512xf32> to vector<8x1x512xf32>
    %broadcast_in_dim3A_162 = vector.broadcast %broadcast_in_dim3A_161 : vector<8x1x512xf32> to vector<8x16x512xf32>
    %swap3A_163 = arith.constant 2 : index
    %swap3A_164 = arith.constant 1 : index
    %swap3A_165 = arith.constant 0 : index
    %swap3A_166 = arith.constant 0 : index
    %swap3A_167 = vector.load %arg15[%swap3A_163, %swap3A_164, %swap3A_165, %swap3A_166] : memref<4x77x16x512xf32, #tpu.memory_space<vmem>>, vector<1x8x16x512xf32>
    %swap3A_168 = vector.shape_cast %swap3A_167 : vector<1x8x16x512xf32> to vector<8x16x512xf32>
    %swap3A_169 = vector.shape_cast %broadcast_in_dim3A_162 : vector<8x16x512xf32> to vector<1x8x16x512xf32>
    tpu.vector_store %arg15[%swap3A_163, %swap3A_164, %swap3A_165, %swap3A_166], %swap3A_169 {strides = array<i32>} : memref<4x77x16x512xf32, #tpu.memory_space<vmem>>, vector<1x8x16x512xf32>,
    %broadcast_in_dim3A_170 = vector.shape_cast %get3A_159 : vector<4x512xf32> to vector<4x1x512xf32>
    %broadcast_in_dim3A_171 = vector.shape_cast %broadcast_in_dim3A_170 : vector<4x1x512xf32> to vector<4x1x512xf32>
    %broadcast_in_dim3A_172 = vector.broadcast %broadcast_in_dim3A_171 : vector<4x1x512xf32> to vector<4x16x512xf32>
    %swap3A_173 = arith.constant 2 : index
    %swap3A_174 = arith.constant 9 : index
    %swap3A_175 = arith.constant 0 : index
    %swap3A_176 = arith.constant 0 : index
    %swap3A_177 = vector.load %arg15[%swap3A_173, %swap3A_174, %swap3A_175, %swap3A_176] : memref<4x77x16x512xf32, #tpu.memory_space<vmem>>, vector<1x4x16x512xf32>
    %swap3A_178 = vector.shape_cast %swap3A_177 : vector<1x4x16x512xf32> to vector<4x16x512xf32>
    %swap3A_179 = vector.shape_cast %broadcast_in_dim3A_172 : vector<4x16x512xf32> to vector<1x4x16x512xf32>
    tpu.vector_store %arg15[%swap3A_173, %swap3A_174, %swap3A_175, %swap3A_176], %swap3A_179 {strides = array<i32>} : memref<4x77x16x512xf32, #tpu.memory_space<vmem>>, vector<1x4x16x512xf32>,
    %broadcast_in_dim3A_180 = vector.shape_cast %add3A_154 : vector<8x512xf32> to vector<8x1x512xf32>
    %broadcast_in_dim3A_181 = vector.shape_cast %broadcast_in_dim3A_180 : vector<8x1x512xf32> to vector<8x1x512xf32>
    %broadcast_in_dim3A_182 = vector.broadcast %broadcast_in_dim3A_181 : vector<8x1x512xf32> to vector<8x16x512xf32>
    %swap3A_183 = arith.constant 2 : index
    %swap3A_184 = arith.constant 13 : index
    %swap3A_185 = arith.constant 0 : index
    %swap3A_186 = arith.constant 0 : index
    %swap3A_187 = vector.load %arg15[%swap3A_183, %swap3A_184, %swap3A_185, %swap3A_186] : memref<4x77x16x512xf32, #tpu.memory_space<vmem>>, vector<1x8x16x512xf32>
    %swap3A_188 = vector.shape_cast %swap3A_187 : vector<1x8x16x512xf32> to vector<8x16x512xf32>
    %swap3A_189 = vector.shape_cast %broadcast_in_dim3A_182 : vector<8x16x512xf32> to vector<1x8x16x512xf32>
    tpu.vector_store %arg15[%swap3A_183, %swap3A_184, %swap3A_185, %swap3A_186], %swap3A_189 {strides = array<i32>} : memref<4x77x16x512xf32, #tpu.memory_space<vmem>>, vector<1x8x16x512xf32>,
    %get3A_190 = arith.constant 0 : index
    %get3A_191 = arith.constant 0 : index
    %get3A_192 = vector.load %arg11[%get3A_190, %get3A_191] : memref<16x512xf32, #tpu.memory_space<vmem>>, vector<8x512xf32>
    %slice3A_193 = vector.extract_strided_slice %add3A_23 {offsets = [3, 0], sizes = [1, 512], strides = [1, 1]} : vector<4x512xf32> to vector<1x512xf32>
    %add3A_194 = vector.broadcast %slice3A_193 : vector<1x512xf32> to vector<8x512xf32>
    %add3A_195 = arith.addf %get3A_192, %add3A_194 : vector<8x512xf32>
    %get3A_196 = arith.constant 8 : index
    %get3A_197 = arith.constant 0 : index
    %get3A_198 = vector.load %arg11[%get3A_196, %get3A_197] : memref<16x512xf32, #tpu.memory_space<vmem>>, vector<8x512xf32>
    %slice3A_199 = vector.extract_strided_slice %add3A_51 {offsets = [3, 0], sizes = [1, 512], strides = [1, 1]} : vector<4x512xf32> to vector<1x512xf32>
    %add3A_200 = vector.broadcast %slice3A_199 : vector<1x512xf32> to vector<8x512xf32>
    %add3A_201 = arith.addf %get3A_198, %add3A_200 : vector<8x512xf32>
    %get3A_202 = arith.constant 3 : index
    %get3A_203 = arith.constant 0 : index
    %get3A_204 = arith.constant 0 : index
    %get3A_205 = vector.load %arg13[%get3A_202, %get3A_203, %get3A_204] : memref<4x4x512xf32, #tpu.memory_space<vmem>>, vector<1x4x512xf32>
    %get3A_206 = vector.shape_cast %get3A_205 : vector<1x4x512xf32> to vector<4x512xf32>
    %broadcast_in_dim3A_207 = vector.shape_cast %add3A_195 : vector<8x512xf32> to vector<8x1x512xf32>
    %broadcast_in_dim3A_208 = vector.shape_cast %broadcast_in_dim3A_207 : vector<8x1x512xf32> to vector<8x1x512xf32>
    %broadcast_in_dim3A_209 = vector.broadcast %broadcast_in_dim3A_208 : vector<8x1x512xf32> to vector<8x16x512xf32>
    %swap3A_210 = arith.constant 3 : index
    %swap3A_211 = arith.constant 1 : index
    %swap3A_212 = arith.constant 0 : index
    %swap3A_213 = arith.constant 0 : index
    %swap3A_214 = vector.load %arg15[%swap3A_210, %swap3A_211, %swap3A_212, %swap3A_213] : memref<4x77x16x512xf32, #tpu.memory_space<vmem>>, vector<1x8x16x512xf32>
    %swap3A_215 = vector.shape_cast %swap3A_214 : vector<1x8x16x512xf32> to vector<8x16x512xf32>
    %swap3A_216 = vector.shape_cast %broadcast_in_dim3A_209 : vector<8x16x512xf32> to vector<1x8x16x512xf32>
    tpu.vector_store %arg15[%swap3A_210, %swap3A_211, %swap3A_212, %swap3A_213], %swap3A_216 {strides = array<i32>} : memref<4x77x16x512xf32, #tpu.memory_space<vmem>>, vector<1x8x16x512xf32>,
    %broadcast_in_dim3A_217 = vector.shape_cast %get3A_206 : vector<4x512xf32> to vector<4x1x512xf32>
    %broadcast_in_dim3A_218 = vector.shape_cast %broadcast_in_dim3A_217 : vector<4x1x512xf32> to vector<4x1x512xf32>
    %broadcast_in_dim3A_219 = vector.broadcast %broadcast_in_dim3A_218 : vector<4x1x512xf32> to vector<4x16x512xf32>
    %swap3A_220 = arith.constant 3 : index
    %swap3A_221 = arith.constant 9 : index
    %swap3A_222 = arith.constant 0 : index
    %swap3A_223 = arith.constant 0 : index
    %swap3A_224 = vector.load %arg15[%swap3A_220, %swap3A_221, %swap3A_222, %swap3A_223] : memref<4x77x16x512xf32, #tpu.memory_space<vmem>>, vector<1x4x16x512xf32>
    %swap3A_225 = vector.shape_cast %swap3A_224 : vector<1x4x16x512xf32> to vector<4x16x512xf32>
    %swap3A_226 = vector.shape_cast %broadcast_in_dim3A_219 : vector<4x16x512xf32> to vector<1x4x16x512xf32>
    tpu.vector_store %arg15[%swap3A_220, %swap3A_221, %swap3A_222, %swap3A_223], %swap3A_226 {strides = array<i32>} : memref<4x77x16x512xf32, #tpu.memory_space<vmem>>, vector<1x4x16x512xf32>,
    %broadcast_in_dim3A_227 = vector.shape_cast %add3A_201 : vector<8x512xf32> to vector<8x1x512xf32>
    %broadcast_in_dim3A_228 = vector.shape_cast %broadcast_in_dim3A_227 : vector<8x1x512xf32> to vector<8x1x512xf32>
    %broadcast_in_dim3A_229 = vector.broadcast %broadcast_in_dim3A_228 : vector<8x1x512xf32> to vector<8x16x512xf32>
    %swap3A_230 = arith.constant 3 : index
    %swap3A_231 = arith.constant 13 : index
    %swap3A_232 = arith.constant 0 : index
    %swap3A_233 = arith.constant 0 : index
    %swap3A_234 = vector.load %arg15[%swap3A_230, %swap3A_231, %swap3A_232, %swap3A_233] : memref<4x77x16x512xf32, #tpu.memory_space<vmem>>, vector<1x8x16x512xf32>
    %swap3A_235 = vector.shape_cast %swap3A_234 : vector<1x8x16x512xf32> to vector<8x16x512xf32>
    %swap3A_236 = vector.shape_cast %broadcast_in_dim3A_229 : vector<8x16x512xf32> to vector<1x8x16x512xf32>
    tpu.vector_store %arg15[%swap3A_230, %swap3A_231, %swap3A_232, %swap3A_233], %swap3A_236 {strides = array<i32>} : memref<4x77x16x512xf32, #tpu.memory_space<vmem>>, vector<1x8x16x512xf32>,
    %eq3A = arith.constant 0 : i32
    %eq3A_237 = arith.cmpi eq, %arg0, %eq3A : i32
    %convert_element_type3A = arith.extui %eq3A_237 : i1 to i32
    %cond3A = arith.constant 0 : i32
    %cond3A_238 = arith.cmpi ne, %convert_element_type3A, %cond3A : i32
    scf.if %cond3A_238 {
      %iota3A = tpu.iota {dimensions = array<i32: 0>} : vector<77x16x128xi32>
      %eq3A_239 = arith.constant 0 : i32
      %eq3A_240 = vector.broadcast %eq3A_239 : i32 to vector<77x16x128xi32>
      %eq3A_241 = arith.cmpi eq, %iota3A, %eq3A_240 : vector<77x16x128xi32>
      %le3A = arith.constant 24 : i32
      %le3A_242 = vector.broadcast %le3A : i32 to vector<77x16x128xi32>
      %le3A_243 = arith.cmpi sle, %iota3A, %le3A_242 : vector<77x16x128xi32>
      %eq3A_244 = arith.constant 25 : i32
      %eq3A_245 = vector.broadcast %eq3A_244 : i32 to vector<77x16x128xi32>
      %eq3A_246 = arith.cmpi eq, %iota3A, %eq3A_245 : vector<77x16x128xi32>
      %eq3A_247 = arith.constant 26 : i32
      %eq3A_248 = vector.broadcast %eq3A_247 : i32 to vector<77x16x128xi32>
      %eq3A_249 = arith.cmpi eq, %iota3A, %eq3A_248 : vector<77x16x128xi32>
      %jit3A = arith.constant 49407 : i32
      %jit3A_250 = arith.constant 0 : i32
      %broadcast_in_dim3A_251 = vector.broadcast %jit3A : i32 to vector<77x16x128xi32>
      %broadcast_in_dim3A_252 = vector.broadcast %jit3A_250 : i32 to vector<77x16x128xi32>
      %select_n3A = arith.select %eq3A_249, %broadcast_in_dim3A_251, %broadcast_in_dim3A_252 : vector<77x16x128xi1>, vector<77x16x128xi32>
      %jit3A_253 = arith.constant 269 : i32
      %broadcast_in_dim3A_254 = vector.broadcast %jit3A_253 : i32 to vector<77x16x128xi32>
      %select_n3A_255 = arith.select %eq3A_246, %broadcast_in_dim3A_254, %select_n3A : vector<77x16x128xi1>, vector<77x16x128xi32>
      %jit3A_256 = arith.constant 1 : i32
      %broadcast_in_dim3A_257 = vector.broadcast %jit3A_256 : i32 to vector<77x16x128xi32>
      %select_n3A_258 = arith.select %le3A_243, %broadcast_in_dim3A_257, %select_n3A_255 : vector<77x16x128xi1>, vector<77x16x128xi32>
      %jit3A_259 = arith.constant 49406 : i32
      %broadcast_in_dim3A_260 = vector.broadcast %jit3A_259 : i32 to vector<77x16x128xi32>
      %select_n3A_261 = arith.select %eq3A_241, %broadcast_in_dim3A_260, %select_n3A_258 : vector<77x16x128xi1>, vector<77x16x128xi32>
      %swap3A_262 = arith.constant 0 : index
      %swap3A_263 = arith.constant 0 : index
      %swap3A_264 = arith.constant 0 : index
      %swap3A_265 = vector.load %arg16[%swap3A_262, %swap3A_263, %swap3A_264] : memref<77x16x128xi32, #tpu.memory_space<vmem>>, vector<77x16x128xi32>
      tpu.vector_store %arg16[%swap3A_262, %swap3A_263, %swap3A_264], %select_n3A_261 {strides = array<i32>} : memref<77x16x128xi32, #tpu.memory_space<vmem>>, vector<77x16x128xi32>,
    } else {
    }
    return
  }
  func.func @transform_0(%arg0: i32) -> (i32, i32, i32) {
    %c0_i32 = arith.constant 0 : i32
    %c0_i32_0 = arith.constant 0 : i32
    %c0_i32_1 = arith.constant 0 : i32
    return %arg0, %c0_i32, %c0_i32_0 : i32, i32, i32
  }
  func.func @transform_1(%arg0: i32) -> (i32, i32, i32) {
    %c0_i32 = arith.constant 0 : i32
    %c0_i32_0 = arith.constant 0 : i32
    %c0_i32_1 = arith.constant 0 : i32
    return %arg0, %c0_i32, %c0_i32_0 : i32, i32, i32
  }
  func.func @transform_2(%arg0: i32) -> (i32, i32) {
    %c0_i32 = arith.constant 0 : i32
    %c0_i32_0 = arith.constant 0 : i32
    %c0_i32_1 = arith.constant 0 : i32
    return %c0_i32, %c0_i32_0 : i32, i32
  }
  func.func @transform_3(%arg0: i32) -> (i32, i32) {
    %c0_i32 = arith.constant 0 : i32
    %c0_i32_0 = arith.constant 0 : i32
    %c0_i32_1 = arith.constant 0 : i32
    return %c0_i32, %c0_i32_0 : i32, i32
  }
  func.func @transform_4(%arg0: i32) -> (i32, i32) {
    %c0_i32 = arith.constant 0 : i32
    %c0_i32_0 = arith.constant 0 : i32
    %c0_i32_1 = arith.constant 0 : i32
    return %c0_i32, %c0_i32_0 : i32, i32
  }
  func.func @transform_5(%arg0: i32) -> (i32, i32) {
    %c0_i32 = arith.constant 0 : i32
    %c0_i32_0 = arith.constant 0 : i32
    %c0_i32_1 = arith.constant 0 : i32
    return %c0_i32, %c0_i32_0 : i32, i32
  }
  func.func @transform_6(%arg0: i32) -> (i32, i32) {
    %c0_i32 = arith.constant 0 : i32
    %c0_i32_0 = arith.constant 0 : i32
    %c0_i32_1 = arith.constant 0 : i32
    return %c0_i32, %c0_i32_0 : i32, i32
  }
  func.func @transform_7(%arg0: i32) -> (i32, i32) {
    %c0_i32 = arith.constant 0 : i32
    %c0_i32_0 = arith.constant 0 : i32
    %c0_i32_1 = arith.constant 0 : i32
    return %c0_i32, %c0_i32_0 : i32, i32
  }
  func.func @transform_8(%arg0: i32) -> (i32, i32) {
    %c0_i32 = arith.constant 0 : i32
    %c0_i32_0 = arith.constant 0 : i32
    %c0_i32_1 = arith.constant 0 : i32
    return %c0_i32, %c0_i32_0 : i32, i32
  }
  func.func @transform_9(%arg0: i32) -> (i32, i32) {
    %c0_i32 = arith.constant 0 : i32
    %c0_i32_0 = arith.constant 0 : i32
    %c0_i32_1 = arith.constant 0 : i32
    return %c0_i32, %c0_i32_0 : i32, i32
  }
  func.func @transform_10(%arg0: i32) -> (i32, i32) {
    %c0_i32 = arith.constant 0 : i32
    %c0_i32_0 = arith.constant 0 : i32
    %c0_i32_1 = arith.constant 0 : i32
    return %c0_i32, %c0_i32_0 : i32, i32
  }
  func.func @transform_11(%arg0: i32) -> (i32, i32, i32) {
    %c0_i32 = arith.constant 0 : i32
    %c0_i32_0 = arith.constant 0 : i32
    %c0_i32_1 = arith.constant 0 : i32
    %c0_i32_2 = arith.constant 0 : i32
    return %c0_i32, %c0_i32_0, %c0_i32_1 : i32, i32, i32
  }
  func.func @transform_12(%arg0: i32) -> (i32, i32, i32) {
    %c0_i32 = arith.constant 0 : i32
    %c0_i32_0 = arith.constant 0 : i32
    %c0_i32_1 = arith.constant 0 : i32
    return %arg0, %c0_i32, %c0_i32_0 : i32, i32, i32
  }
  func.func @transform_13(%arg0: i32) -> (i32, i32) {
    %c0_i32 = arith.constant 0 : i32
    %c0_i32_0 = arith.constant 0 : i32
    %c0_i32_1 = arith.constant 0 : i32
    return %c0_i32, %c0_i32_0 : i32, i32
  }
  func.func @transform_14(%arg0: i32) -> (i32, i32, i32, i32) {
    %c0_i32 = arith.constant 0 : i32
    %c0_i32_0 = arith.constant 0 : i32
    %c0_i32_1 = arith.constant 0 : i32
    %c0_i32_2 = arith.constant 0 : i32
    return %arg0, %c0_i32, %c0_i32_0, %c0_i32_1 : i32, i32, i32, i32
  }
  func.func @transform_15(%arg0: i32) -> (i32, i32, i32) {
    %c0_i32 = arith.constant 0 : i32
    %c0_i32_0 = arith.constant 0 : i32
    %c0_i32_1 = arith.constant 0 : i32
    %c0_i32_2 = arith.constant 0 : i32
    return %c0_i32, %c0_i32_0, %c0_i32_1 : i32, i32, i32
  }
}

</mosaic_0001>

<sc_bundles>
// kernel: kernel.4.cloned.1.call-start
scs
__scs_entry_jumppad:
0x0: {  	(pc) =	sbr.rel $0x88, $3  }
0x1: {  	(tag) =	ssettag $0x0;
	lr =	simm.s32 $0x1  }
0x2: {  	[smem:$0x3F93] =	sst lr;
	_ =	strace $0xD0000000  }
0x3: {  	_ = 	snop  }
0x4: {  	_ = 	snop  }
0x5: {  	_ = 	snop  }
0x6: {  	_ = 	snop  }
0x7: {  	_ = 	snop  }
__scs_overlays_trampoline_lowered:
0x8: {  	[smem:$0x3FA2] =	sst s0  }
0x9: {  	[smem:$0x3FA3] =	sst s1  }
0xa: {  	[smem:$0x3FA4] =	sst s2  }
0xb: {  	[smem:$0x3FA5] =	sst s3  }
0xc: {  	[smem:$0x3FA6] =	sst s4  }
0xd: {  	[smem:$0x3FA7] =	sst s5  }
0xe: {  	[smem:$0x3FA8] =	sst s6  }
0xf: {  	[smem:$0x3FA9] =	sst s7  }
0x10: {  	[smem:$0x3FAA] =	sst s8  }
0x11: {  	[smem:$0x3FAB] =	sst s9;
	s0 =	simm.s32 @!p0 $0x0  }
0x12: {  	s1 =	sld [smem:$0x3F91];
	s0 =	simm.s32 @p0 $0x1  }
0x13: {  	[smem:$0x3FAC] =	sst s0;
	s0 =	simm.s32 @!p1 $0x0  }
0x14: {  	s2 =	sld [smem:$0x3F90];
	s0 =	simm.s32 @p1 $0x1  }
0x15: {  	[smem:$0x3FAD] =	sst s0;
	s0 =	simm.s32 @!p2 $0x0  }
0x16: {  	s3 =	sld [smem:$0x3FDB];
	s0 =	simm.s32 @p2 $0x1  }
0x17: {  	s4 =	simm.s32 $0x1BF5;
	[smem:$0x3FAF] =	sst s0  }
0x18: {  	s0 =	sld [smem:$0x3F92];
	_ =	swait.ge [sflag:s4], $0x0  }
0x19: {  	s7 =	sld [smem:$0x3F93]  }
0x1a: {  	s8 =	sadd.s32 $0xFFFFE003, lr  }
0x1b: {  	s9 =	sadd.s32 $0xFFFFFEF7, lr;
	s5 =	simm.s32 $0xFFFFFFFF;
	p2 =	slt.u32 s8, $0xFFFFF086  }
0x1c: {  	p1 =	slt.u32 s9, $0xF7A;
	s5 =	simm.s32 @!p2 $0x0  }
0x1d: {  	s5 =	simm.s32 @p1 $0x1;
	p0 =	seq.s32 s7, s2  }
0x1e: {  	s7 =	smul.u32 @!p0 $0xF7A, s2;
	p2 =	seq.s32 @!p0 s5, $0x0  }
0x1f: {  	s9 =	smul.u32 $0xF7A, s1;
	s8 =	simm.s32 @!p0 $0x1BF5;
	p2 =	por !p2, p0  }
0x20: {  	[sflag:s8] =	ssyncset.s32 @!p0 $0xFFFFF086;
	s6 =	sadd.s32 @!p0 s3, s7;
	s7 =	simm.s32 @!p0 $0x108  }
0x21: {  	s3 =	sadd.s32 s3, s9;
	s6 =	sadd.s32 @!p0 $0x88, s6;
	s7 =	simm.s32 @p2 $0x1082  }
0x22: {  	[simem:s7], [sflag:s8] =	dma.local @!p0 [hbm:s6], $0xF7A  }
0x23: {  	s9 =	sor.u32 $0xD0000000, s2;
	s6 =	simm.s32 $0x108;
	_ =	swait.ge @!p0 [sflag:s8], $0x0  }
0x24: {  	s3 =	sadd.s32 $0x88, s3;
	s6 =	simm.s32 @!p1 $0x1082;
	[sflag:s4] =	ssyncset.s32 $0xFFFFF086  }
0x25: {  	[simem:s6], [sflag:s4] =	dma.local [hbm:s3], $0xF7A  }
0x26: {  	[smem:$0x3F93] =	sst s1;
	(tag) =	ssettag s2;
	_ =	strace s9  }
0x27: {  	s1 =	sld [smem:$0x3FA3]  }
0x28: {  	s2 =	sld [smem:$0x3FA4]  }
0x29: {  	s4 =	sld [smem:$0x3FA6]  }
0x2a: {  	p0 =	seq.s32 s5, $0x0;
	s5 =	sld [smem:$0x3FA7]  }
0x2b: {  	s6 =	sld [smem:$0x3FA8]  }
0x2c: {  	s7 =	sld [smem:$0x3FA9]  }
0x2d: {  	s3 =	simm.s32 $0x108;
	s8 =	sld [smem:$0x3FAA]  }
0x2e: {  	s3 =	simm.s32 @!p0 $0x1082;
	s9 =	sld [smem:$0x3FAB]  }
0x2f: {  	lr =	sadd.s32 s0, s3;
	s0 =	sld [smem:$0x3FA2]  }
0x30: {  	s3 =	sld [smem:$0x3FA5]  }
0x31: {  	[smem:$0x3FAE] =	sst s10  }
0x32: {  	s10 =	sld [smem:$0x3FAC];
	_ =	sdelay $0x3  }
0x33: {  	p0 =	seq.s32 s10, $0x1;
	s10 =	sld [smem:$0x3FAE];
	_ =	sdelay $0x3  }
0x34: {  	[smem:$0x3FAE] =	sst s10  }
0x35: {  	s10 =	sld [smem:$0x3FAD];
	_ =	sdelay $0x3  }
0x36: {  	p1 =	seq.s32 s10, $0x1;
	s10 =	sld [smem:$0x3FAE];
	_ =	sdelay $0x3  }
0x37: {  	[smem:$0x3FAE] =	sst s10  }
0x38: {  	s10 =	sld [smem:$0x3FAF]  }
0x39: {  	_ = 	snop;
	(pc) =	sbr.ind lr, $3  }
0x3a: {  	_ = 	snop  }
0x3b: {  	_ = 	snop  }
0x3c: {  	p2 =	seq.s32 s10, $0x1;
	s10 =	sld [smem:$0x3FAE]  }
0x3d: {  	_ =	shalt  }
0x3e: {  	_ =	shalt  }
0x3f: {  	_ =	shalt  }
0x40: {  	_ =	shalt  }
0x41: {  	_ =	shalt  }
0x42: {  	_ =	shalt  }
0x43: {  	_ =	shalt  }
0x44: {  	_ =	shalt  }
0x45: {  	_ =	shalt  }
0x46: {  	_ =	shalt  }
0x47: {  	_ =	shalt  }
0x48: {  	_ =	shalt  }
0x49: {  	_ =	shalt  }
0x4a: {  	_ =	shalt  }
0x4b: {  	_ =	shalt  }
0x4c: {  	_ =	shalt  }
0x4d: {  	_ =	shalt  }
0x4e: {  	_ =	shalt  }
0x4f: {  	_ =	shalt  }
0x50: {  	_ =	shalt  }
0x51: {  	_ =	shalt  }
0x52: {  	_ =	shalt  }
0x53: {  	_ =	shalt  }
0x54: {  	_ =	shalt  }
0x55: {  	_ =	shalt  }
0x56: {  	_ =	shalt  }
0x57: {  	_ =	shalt  }
0x58: {  	_ =	shalt  }
0x59: {  	_ =	shalt  }
0x5a: {  	_ =	shalt  }
0x5b: {  	_ =	shalt  }
0x5c: {  	_ =	shalt  }
0x5d: {  	_ =	shalt  }
0x5e: {  	_ =	shalt  }
0x5f: {  	_ =	shalt  }
0x60: {  	_ =	shalt  }
0x61: {  	_ =	shalt  }
0x62: {  	_ =	shalt  }
0x63: {  	_ =	shalt  }
0x64: {  	_ =	shalt  }
0x65: {  	_ =	shalt  }
0x66: {  	_ =	shalt  }
0x67: {  	_ =	shalt  }
0x68: {  	_ =	shalt  }
0x69: {  	_ =	shalt  }
0x6a: {  	_ =	shalt  }
0x6b: {  	_ =	shalt  }
0x6c: {  	_ =	shalt  }
0x6d: {  	_ =	shalt  }
0x6e: {  	_ =	shalt  }
0x6f: {  	_ =	shalt  }
0x70: {  	_ =	shalt  }
0x71: {  	_ =	shalt  }
0x72: {  	_ =	shalt  }
0x73: {  	_ =	shalt  }
0x74: {  	_ =	shalt  }
0x75: {  	_ =	shalt  }
0x76: {  	_ =	shalt  }
0x77: {  	_ =	shalt  }
0x78: {  	_ =	shalt  }
0x79: {  	_ =	shalt  }
0x7a: {  	_ =	shalt  }
0x7b: {  	_ =	shalt  }
0x7c: {  	_ =	shalt  }
0x7d: {  	_ =	shalt  }
0x7e: {  	_ =	shalt  }
0x7f: {  	_ =	shalt  }
0x80: {  	_ =	shalt  }
0x81: {  	_ =	shalt  }
0x82: {  	_ =	shalt  }
0x83: {  	_ =	shalt  }
0x84: {  	_ =	shalt  }
0x85: {  	_ =	shalt  }
0x86: {  	_ =	shalt  }
0x87: {  	_ =	shalt  }
.Lfunc_end0:
.L_simem_size_0:
called_computation_lowered:
.L_overlay_start_0:
0x88: {  	s2 =	sld [smem:$0x3FD9]  }
0x89: {  	s3 =	sld [smem:$0x3FFE];
	_ =	sdelay $0x1  }
0x8a: {  	s1 =	srdreg.scid  }
0x8b: {  	s0 =	sand.u32 $0x1, s1  }
0x8c: {  	s15 =	sshll.u32 s0, $0xA;
	s2 =	sadd.s32 s3, s2  }
0x8d: {  	s2 =	sadd.s32 s2, s15  }
0x8e: {  	[smem:$0x3FBA] =	sst s2  }
0x8f: {  	_ = 	snop  }
0x90: {  	s2 =	sld [smem:$0x3FD0];
	_ =	sdelay $0x2  }
0x91: {  	s4 =	simm.s32 $0xA;
	s5 =	simm.s32 $0x10;
	s16 =	sld [smem:$0x3FC4]  }
0x92: {  	[smem:s5], [sflag:s4] =	dma.local [hbm:s2], $0x1  }
0x93: {  	_ =	swait.eq [sflag:s4], $0x1  }
0x94: {  	[sflag:s4] =	ssyncset.done $0x0  }
0x95: {  	s17 =	sld [smem:$0x10];
	[sflag:s4] =	ssyncadd.s32 $0xFFFFFFFF  }
0x96: {  	s18 =	sld [smem:$0x11];
	(tm) =	ssettm $0x1  }
0x97: {  	s19 =	sld [smem:$0x3FFB];
	_ =	sdelay $0x3  }
0x98: {  	_ =	strace s19  }
0x99: {  	s5 =	sld [smem:$0x3FFC];
	_ =	sdelay $0x3  }
0x9a: {  	_ =	strace s5  }
0x9b: {  	s5 =	sld [smem:$0x3FFD];
	_ =	sdelay $0x3  }
0x9c: {  	_ =	strace s5  }
0x9d: {  	_ =	strace $0x8FFFFFFF  }
0x9e: {  	s20 =	sld [smem:$0x3FDB];
	_ =	sdelay $0x1  }
0x9f: {  	s6 =	simm.s32 $_scs_section_size  }
0xa0: {  	s7 =	simm.s32 $_size__tile_overlayer_lowered;
	s8 =	simm.s32 $_tile_overlayer_lowered  }
0xa1: {  	s23 =	simm.s32 $0x1BFF;
	s22 =	sshll.u32 s8, $0x1;
	s5 =	sadd.s32 s6, s20  }
0xa2: {  	s9 =	simm.s32 $0x0;
	s21 =	sshll.u32 s7, $0x1;
	s7 =	sadd.s32 s22, s5  }
0xa3: {  	[timem:s9], [sflag:s23] =	dma.local [hbm:s7], s21  }
0xa4: {  	_ =	swait.ge [sflag:s23], s21  }
0xa5: {  	s6 =	ssub.s32 $0x0, s21;
	[sflag:s23] =	ssyncset.done $0x0  }
0xa6: {  	[sflag:s23] =	ssyncadd.s32 s6;
	_ =	sdelay $0x1  }
0xa7: {  	s24 =	simm.s32 $0x1B8B  }
0xa8: {  	_ =	swait.ge [sflag:s24], $0x1  }
0xa9: {  	[sflag:s24] =	ssyncset.done $0x0  }
0xaa: {  	s25 =	simm.s32 $0x1B8E;
	[sflag:s24] =	ssyncadd.s32 $0xFFFFFFFF  }
0xab: {  	s26 =	simm.s32 $execute0_lowered;
	[smem:$0x3FD2] =	sst s25  }
0xac: {  	s6 =	sshll.u32 s26, $0x1;
	_ =	strace $0x80000046;
	[dreg:$0x1] =	wrdreg $0xFFFFFFFF  }
0xad: {  	s28 =	simm.s32 $_size_execute0_lowered;
	s5 =	sadd.s32 s5, s6;
	[dreg:$0x0] =	wrdreg $0x0  }
0xae: {  	s6 =	sshll.u32 s28, $0x1;
	[dreg:$0x2] =	wrdreg s5  }
0xaf: {  	[dreg:$0x3] =	wrdreg s6  }
0xb0: {  	[dreg:$0x4] =	wrdreg $0xC0  }
0xb1: {  	_ =	task [dreg:s9], $0x5FFFF  }
0xb2: {  	[dreg:$0x1] =	wrdreg $0xFFFFFFFF  }
0xb3: {  	[dreg:$0x0] =	wrdreg $0x60  }
0xb4: {  	[dreg:$0x2] =	wrdreg s16  }
0xb5: {  	[dreg:$0x3] =	wrdreg s18  }
0xb6: {  	[dreg:$0x4] =	wrdreg s17  }
0xb7: {  	[dreg:$0x5] =	wrdreg $0x9  }
0xb8: {  	_ =	task.clear_ibuf [dreg:s9], $0x6FFFF;
	_ =	strace $0x90000046  }
0xb9: {  	s29 =	simm.s32 $0x9;
	_ =	strace $0x80000048  }
0xba: {  	_ =	swait.ge [sflag:s29], $0x1  }
0xbb: {  	[sflag:s29] =	ssyncadd.s32 $0xFFFFFFFF  }
0xbc: {  	_ =	strace $0x90000048  }
0xbd: {  	_ =	sfence  }
0xbe: {  	s30 =	sld [smem:$0x0];
	_ =	sdelay $0x2  }
0xbf: {  	s31 =	sshll.u32 s1, $0xD;
	s1 =	sshrl.u32 s1, $0x2  }
0xc0: {  	s3 =	sand.u32 $0x4000, s31;
	s1 =	sadd.s32 s1, s30  }
0xc1: {  	s0 =	sor.u32 s3, s0;
	s1 =	sshll.u32 s1, $0x11  }
0xc2: {  	s0 =	sor.u32 s1, s0  }
0xc3: {  	s0 =	sadd.s32 $0x8F2B, s0  }
0xc4: {  	[sflag:s0] =	ssyncadd.remote.s32 $0x1  }
0xc5: {  	_ =	sfence.sel $0xFFFF  }
0xc6: {  	[dreg:$0x0] =	wrdreg $0xFFFFFFFF;
	(pc) =	sbr.abs _section_cstart, $3  }
0xc7: {  	[dreg:$0x1] =	wrdreg $0xFFFFFFFF  }
0xc8: {  	_ =	task.clear_ibuf [dreg:s9], $0x2FFFF;
	_ =	strace $0x9FFFFFFF  }
0xc9: {  	(tm) =	ssettm $0x7FFFFFFF  }
tec
execute0_lowered:
.L_overlay_start_1:
0x0: {  	(tag) =	ssettag $0x1  }
0x1: {  	s1 =	rddreg [dreg:$0x0];
	s2 =	srdreg.scid  }
0x2: {  	s4 =	rddreg [dreg:$0x1];
	s0 =	stileid.u32;
	s10 =	sand.u32 $0x1, s2  }
0x3: {  	s12 =	rddreg [dreg:$0x2];
	s5 =	sshll.u32 s0, $0x5;
	s6 =	sshll.u32 s10, $0x4  }
0x4: {  	s3 =	simm.s32 $0x0;
	s2 =	rddreg [dreg:$0x3];
	s13 =	sor.u32 s6, s5  }
0x5: {  	[smem:$0x7FF] =	sst s3;
	s5 =	sshrl.u32 s13, $0x3  }
0x6: {  	_ =	strace $0x80000047;
	s5 =	sadd.s32 s4, s5;
	s4 =	simm.s32 $0x2  }
0x7: {  	[tilespmem:s3], [sflag:$0x2] =	stream.linear.gather [hbm4b:s5+s3], $0x10, $0x38;
	[tilespmem:$0x2080] =	vst v63  }
0x8: {  	_ =	swait.ge [sflag:s4], $0x10  }
0x9: {  	[sflag:s4] =	ssyncset.done $0x0  }
0xa: {  	[sflag:s4] =	ssyncadd.s32 $0xFFFFFFF0  }
0xb: {  	v0 =	vld [tilespmem:$0x0];
	_ =	sdelay $0x4  }
0xc: {  	v1 =	vshll.u32 v0, $0x2  }
0xd: {  	v2 =	vlaneseq.u32;
	v3 =	vand.u32 $0x7, v0;
	v1 =	vand.u32 $0xFFFFFFE0, v1  }
0xe: {  	v4 =	vshrl.u32 v2, $0x3;
	v0 =	vand.u32 $0x7, v2;
	v3 =	vor.u32 v3, v1  }
0xf: {  	v1 =	vmul.u32 $0x8, v4;
	v63 =	vperm.xlane v3, v0;
	_ =	sdelay $0x1  }
0x10: {  	v4 =	vadd.s32 v1, v63  }
0x11: {  	v2 =	vor.u32 $0x8, v2  }
0x12: {  	v3 =	vperm.xlane v3, v2;
	_ =	sdelay $0x1  }
0x13: {  	vm0 =	vmmov $0xffff;
	s14 =	ssub.s32 $0x2, s10;
	s6 =	simm.s32 $0x80;
	v3 =	vadd.s32 v1, v3  }
0x14: {  	[tilespmem:s6], [sflag:$0x1] =	stream.indirect_vreg.gather [hbm4b:s1+s3], $0x80, v4, vm0, $0xb8;
	[tilespmem:$0x2080] =	vst v63  }
0x15: {  	s8 =	simm.s32 $0x880;
	s7 =	sadd.s32 $0x100, s1;
	s15 =	sshrl.u32 s14, $0x1  }
0x16: {  	[tilespmem:s8], [sflag:$0x1] =	stream.indirect_vreg.gather [hbm4b:s7+s3], $0x80, v4, vm0, $0xb8;
	[tilespmem:$0x2080] =	vst v63  }
0x17: {  	s9 =	simm.s32 $0x1080;
	s14 =	ssub.s32 s14, s15  }
0x18: {  	[tilespmem:s9], [sflag:$0x1] =	stream.indirect_vreg.gather [hbm4b:s1+s3], $0x80, v3, vm0, $0xb8;
	[tilespmem:$0x2080] =	vst v63  }
0x19: {  	s11 =	simm.s32 $0x1;
	s10 =	simm.s32 $0x1880;
	s31 =	smax.u32 s14, $0x1  }
0x1a: {  	[tilespmem:s10], [sflag:$0x1] =	stream.indirect_vreg.gather [hbm4b:s7+s3], $0x80, v3, vm0, $0xb8;
	[tilespmem:$0x2080] =	vst v63  }
0x1b: {  	p0 =	sne.s32 s31, $0x1;
	_ =	swait.ge [sflag:s11], $0x2000  }
.Ltmp0:
0x1c: {  	s13 =	sshll.u32 s13, $0x6;
	[sflag:s11] =	ssyncset.done $0x0;
	(pc) =	sbr.rel @!p0 .LBB2_2-.Ltmp0, $4  }
0x1d: {  	s12 =	sadd.s32 s12, s13;
	[sflag:s11] =	ssyncadd.s32 $0xFFFFE000  }
0x1e: {  	[hbm4b:s12+s3] =	stream.linear.scatter [tilespmem:s6], [sflag:$0x2], $0x2000, $0x38;
	[tilespmem:$0x2080] =	vst v63  }
0x1f: {  	_ =	swait.ge [sflag:s4], $0x2000  }
0x20: {  	s13 =	sadd.s32 $0xFFFFFFFF, s31;
	[sflag:s4] =	ssyncset.done $0x0  }
.LBB2_1:
0x21: {  	p0 =	sne.s32 s13, $0x1;
	s13 =	sadd.s32 $0xFFFFFFFF, s13;
	[sflag:s4] =	ssyncadd.s32 $0xFFFFE000  }
0x22: {  	[tilespmem:s3], [sflag:$0x2] =	stream.linear.gather [hbm4b:s5+s3], $0x10, $0x38;
	[tilespmem:$0x2080] =	vst v63  }
0x23: {  	_ =	swait.ge [sflag:s4], $0x10  }
0x24: {  	[sflag:s4] =	ssyncset.done $0x0  }
0x25: {  	[sflag:s4] =	ssyncadd.s32 $0xFFFFFFF0  }
0x26: {  	v3 =	vld [tilespmem:$0x0];
	_ =	sdelay $0x4  }
0x27: {  	v4 =	vshll.u32 v3, $0x2  }
0x28: {  	v3 =	vand.u32 $0x7, v3;
	v4 =	vand.u32 $0xFFFFFFE0, v4  }
0x29: {  	v3 =	vor.u32 v3, v4  }
0x2a: {  	v4 =	vperm.xlane v3, v0;
	v3 =	vperm.xlane v3, v2;
	_ =	sdelay $0x1  }
0x2b: {  	v4 =	vadd.s32 v1, v4;
	_ =	sdelay $0x3  }
0x2c: {  	v3 =	vadd.s32 v1, v3  }
0x2d: {  	[tilespmem:s6], [sflag:$0x1] =	stream.indirect_vreg.gather [hbm4b:s1+s3], $0x80, v4, vm0, $0xb8;
	[tilespmem:$0x2080] =	vst v63  }
0x2e: {  	_ = 	snop  }
0x2f: {  	[tilespmem:s8], [sflag:$0x1] =	stream.indirect_vreg.gather [hbm4b:s7+s3], $0x80, v4, vm0, $0xb8;
	[tilespmem:$0x2080] =	vst v63  }
0x30: {  	_ = 	snop  }
0x31: {  	[tilespmem:s9], [sflag:$0x1] =	stream.indirect_vreg.gather [hbm4b:s1+s3], $0x80, v3, vm0, $0xb8;
	[tilespmem:$0x2080] =	vst v63  }
0x32: {  	_ = 	snop  }
0x33: {  	[tilespmem:s10], [sflag:$0x1] =	stream.indirect_vreg.gather [hbm4b:s7+s3], $0x80, v3, vm0, $0xb8;
	[tilespmem:$0x2080] =	vst v63  }
0x34: {  	_ =	swait.ge [sflag:s11], $0x2000  }
.Ltmp1:
0x35: {  	[sflag:s11] =	ssyncset.done $0x0;
	(pc) =	sbr.rel @p0 .LBB2_1-.Ltmp1, $4  }
0x36: {  	[sflag:s11] =	ssyncadd.s32 $0xFFFFE000  }
0x37: {  	[hbm4b:s12+s3] =	stream.linear.scatter [tilespmem:s6], [sflag:$0x2], $0x2000, $0x38;
	[tilespmem:$0x2080] =	vst v63  }
0x38: {  	_ =	swait.ge [sflag:s4], $0x2000  }
0x39: {  	[sflag:s4] =	ssyncset.done $0x0  }
.LBB2_2:
0x3a: {  	[sflag:s4] =	ssyncadd.s32 $0xFFFFE000  }
0x3b: {  	_ =	sfence.sel $0x180000  }
0x3c: {  	[bflag:$0x0] =	sbarrier.arrive $0xFFFF  }
0x3d: {  	p0 =	sne.s32 s0, $0x0;
	_ =	strace $0x90000047  }
0x3e: {  	s0 =	sadd.s32 @!p0 $0x100000, s2;
	[bflag:$0x2] =	sbarrier.arrive $0xFFFF  }
0x3f: {  	[sflag:s0] =	ssyncadd.tile.s32 @!p0 $0x1;
	_ =	shalt  }
.Lfunc_end2:
_tile_overlayer_lowered:
.L_overlay_start_2:
0x40: {  	(tag) =	ssettag $0x2  }
0x41: {  	s0 =	rddreg [dreg:$0x0];
	s2 =	stileid.u32  }
0x42: {  	s1 =	rddreg [dreg:$0x1];
	p0 =	sne.s32 s2, $0x0  }
0x43: {  	s3 =	rddreg [dreg:$0x2];
	[bflag:$0x3] =	sbarrier.arrive $0xFFFF;
	s2 =	simm.s32 @!p0 $0x1C02  }
0x44: {  	[timem:s3], [sflag:s2] =	dma.local @!p0 [hbm:s0], s1  }
0x45: {  	s0 =	simm.s32 @!p0 $0x2  }
0x46: {  	_ =	swait.ge @!p0 [sflag:s0], s1  }
0x47: {  	s1 =	ssub.s32 @!p0 $0x0, s1;
	[sflag:s0] =	ssyncset.done @!p0 $0x0  }
0x48: {  	[sflag:s0] =	ssyncadd.s32 @!p0 s1  }
0x49: {  	[bflag:$0x3] =	sbarrier.arrive $0xFFFF  }
0x4a: {  	_ =	shalt  }

</sc_bundles>
